<compile_context>
chip_gen: v7x
topology: tpu7x:2x2x1
jax: 0.10.2.dev20260603
libtpu: 0.0.44.dev20260713+nightly
codegen_flags: <defaults>
</compile_context>

<pallas_src>
import functools

import jax
import jax.numpy as jnp
from jax import lax
from jax.experimental import pallas as pl
from jax.experimental.pallas import tpu as pltpu
from jax.experimental.pallas import tpu_sc as plsc

BS, SEQ1, D = 4, 8193, 768
TOT = BS * D
NT = D // 128
_INFO = plsc.get_sparse_core_info()
NC, NS, L = _INFO.num_cores, _INFO.num_subcores, _INFO.num_lanes
NW = NC * NS
PER_W = TOT // NW
JW = D // NW

_mesh = plsc.VectorSubcoreMesh(core_axis_name="c", subcore_axis_name="s")


@functools.partial(
    pl.kernel,
    mesh=_mesh,
    out_type=jax.ShapeDtypeStruct((TOT,), jnp.float32),
    scratch_types=[
        pltpu.VMEM((JW,), jnp.int32),
        pltpu.VMEM((JW,), jnp.int32),
        pltpu.VMEM((JW, BS, 256), jnp.float32),
        pltpu.VMEM((PER_W,), jnp.float32),
        pltpu.SemaphoreType.DMA,
    ],
    compiler_params=pltpu.CompilerParams(
        use_tc_tiling_on_sc=True, needs_layout_passes=False),
)
def _sc_gather(tok_hbm, idx_hbm, out_hbm, idx_v, row_v, slab_v, val_v, sem):
    wid = lax.axis_index("s") * NC + lax.axis_index("c")
    jbase = wid * JW
    ab = pl.multiple_of(jnp.minimum((jbase >> 7) << 7, D - 256), 128)
    pltpu.sync_copy(idx_hbm.at[pl.ds(jbase, JW)], idx_v)
    lane = lax.iota(jnp.int32, L)
    for st in (0, JW - L):
        row_v[pl.ds(st, L)] = idx_v[pl.ds(st, L)] + 1
    pltpu.async_copy(tok_hbm.at[row_v, :, pl.ds(ab, 256)], slab_v, sem).wait()
    for i in range(PER_W // L):
        e = i * L + lane
        b_v = e // JW
        k_v = e - b_v * JW
        val_v[pl.ds(i * L, L)] = plsc.load_gather(
            slab_v, [k_v, b_v, jbase + k_v - ab])
    stores = [pltpu.async_copy(val_v.at[pl.ds(b * JW, JW)],
                               out_hbm.at[pl.ds(b * D + jbase, JW)], sem)
              for b in range(BS)]
    for c in stores:
        c.wait()


def _tc_q_body(cls_ref, win_ref, woutb_ref, h2_ref):
    q = lax.dot_general(
        cls_ref[...], win_ref[...], (((1,), (1,)), ((), ())),
        preferred_element_type=jnp.float32)
    h2_ref[...] = lax.dot_general(
        q, woutb_ref[...], (((1,), (1,)), ((), ())),
        preferred_element_type=jnp.float32)


_tc_q = pl.pallas_call(
    _tc_q_body,
    grid=(1,),
    out_shape=jax.ShapeDtypeStruct((BS, D), jnp.float32),
    in_specs=[
        pl.BlockSpec((BS, D), lambda i: (0, 0)),
        pl.BlockSpec((D, D), lambda i: (0, 0)),
        pl.BlockSpec((D, D), lambda i: (0, 1)),
    ],
    out_specs=pl.BlockSpec((BS, D), lambda i: (0, 0)),
)


def _tc_out_body(emb_ref, h2_ref, wouta_ref, out_ref):
    emb = jnp.concatenate(
        [emb_ref[pl.ds(b * D, D)].reshape(1, D) for b in range(BS)], axis=0)
    out_ref[...] = jnp.tanh(h2_ref[...] + lax.dot_general(
        emb, wouta_ref[...], (((1,), (1,)), ((), ())),
        preferred_element_type=jnp.float32))


_tc_out = pl.pallas_call(
    _tc_out_body,
    grid=(1,),
    out_shape=jax.ShapeDtypeStruct((BS, D), jnp.float32),
    in_specs=[
        pl.BlockSpec((TOT,), lambda i: (0,)),
        pl.BlockSpec((BS, D), lambda i: (0, 0)),
        pl.BlockSpec((D, D), lambda i: (0, 0)),
    ],
    out_specs=pl.BlockSpec((BS, D), lambda i: (0, 0)),
)


def kernel(output_tokens_from_bert, cls_output, embrace_idx, W_in, W_out):
    tok_t = jnp.swapaxes(output_tokens_from_bert, 0, 1)
    emb_flat = _sc_gather(tok_t, embrace_idx)
    h2 = _tc_q(cls_output, W_in, W_out)
    return _tc_out(emb_flat, h2, W_out)

# --- scband reference (transcript-rebuilt; emitter-appended) ---
"""Pipeline reference for scband-embracement-layer-79628693667963 (READ-ONLY COPY).

The authoritative reference and input builder live on the scoring server;
editing this copy changes nothing except your own understanding.
"""

import jax, jax.numpy as jnp
import numpy as np

BS, SEQ1, D = 4, 8193, 768

def setup_inputs(seed: int = 0):
    key = jax.random.key(seed)
    k1, k2, k3, k4, k5 = jax.random.split(key, 5)
    output_tokens_from_bert = jax.random.normal(k1, (BS, SEQ1, D), dtype=jnp.float32)
    cls_output = jax.random.normal(k2, (BS, D), dtype=jnp.float32)
    # multinomial over uniform probs on seq_len = SEQ1-1 positions, emb_size=D draws with replacement
    embrace_idx = jax.random.randint(k5, (D,), 0, SEQ1 - 1, dtype=jnp.int32)
    # Attention(hidden_size) params: linear_in [D,D] no bias, linear_out [D, 2D] no bias (torch layout [out,in])
    W_in = jax.random.normal(k3, (D, D), dtype=jnp.float32) * (1.0 / np.sqrt(D))
    W_out = jax.random.normal(k4, (D, 2 * D), dtype=jnp.float32) * (1.0 / np.sqrt(2 * D))
    return {"output_tokens_from_bert": output_tokens_from_bert, "cls_output": cls_output,
            "embrace_idx": embrace_idx, "W_in": W_in, "W_out": W_out}

def reference(output_tokens_from_bert, cls_output, embrace_idx, W_in, W_out):
    # drop CLS token position
    tokens_to_embrace = output_tokens_from_bert[:, 1:, :]            # [bs, seq_len, emb]
    # embraced_features_token[b, j] = tokens_to_embrace[b, idx[j], j]
    idx = embrace_idx.astype(jnp.int32)[None, None, :]               # [1,1,emb]
    embraced = jnp.take_along_axis(tokens_to_embrace, idx, axis=1)[:, 0, :]  # [bs, emb]
    query = cls_output[:, None, :]                                   # [bs, 1, d]
    context = embraced[:, None, :]                                   # [bs, 1, d]
    # Attention (torchnlp 'general'): q = linear_in(query)
    q = query @ W_in.T                                               # [bs, 1, d]
    scores = jnp.einsum('bod,bqd->boq', q, context)                  # [bs, 1, 1]
    weights = jax.nn.softmax(scores, axis=-1)
    mix = jnp.einsum('boq,bqd->bod', weights, context)               # [bs, 1, d]
    combined = jnp.concatenate([mix, q], axis=2)                     # [bs, 1, 2d]
    out = jnp.tanh(combined @ W_out.T)                               # [bs, 1, d]
    return jnp.squeeze(out, axis=1)                                  # [bs, d]

if __name__ == "__main__":
    import jax
    _d = setup_inputs()
    print(jax.jit(kernel)(*tuple(_d.values())))

</pallas_src>

<mosaic_0001>
#map = affine_map<(d0, d1) -> (0, 0, 0)>
#map1 = affine_map<(d0, d1) -> (0)>
module attributes {stable_mosaic.version = 14 : i64} {
  func.func @_sc_gather(%arg0: i32, %arg1: i32, %arg2: memref<8193x4x768xf32, #tpu.memory_space<hbm>>, %arg3: memref<768xi32, #tpu.memory_space<hbm>>, %arg4: memref<3072xf32, #tpu.memory_space<hbm>>, %arg5: memref<24xi32, #tpu.memory_space<vmem>>, %arg6: memref<24xi32, #tpu.memory_space<vmem>>, %arg7: memref<24x4x256xf32, #tpu.memory_space<vmem>>, %arg8: memref<96xf32, #tpu.memory_space<vmem>>, %arg9: memref<!tpu.dma_semaphore, #tpu.memory_space<semaphore_mem>>) attributes {dimension_semantics = [#tpu.dimension_semantics<core_parallel>, #tpu.dimension_semantics<subcore_parallel>], iteration_bounds = array<i64: 2, 16>, scalar_prefetch = 0 : i64, scratch_operands = 5 : i64, tpu.core_type = #tpu.core_type<sc_vector_subcore>, window_params = [{transform_indices = #map}, {transform_indices = #map1}, {transform_indices = #map1}]} {
    %mul3A = arith.constant 2 : i32
    %mul3A_0 = arith.muli %arg1, %mul3A : i32
    %add3A = arith.addi %mul3A_0, %arg0 : i32
    %mul3A_1 = arith.constant 24 : i32
    %mul3A_2 = arith.muli %add3A, %mul3A_1 : i32
    %shift_right_arithmetic3A = arith.constant 7 : i32
    %shift_right_arithmetic3A_3 = arith.shrsi %mul3A_2, %shift_right_arithmetic3A : i32
    %shift_left3A = arith.constant 7 : i32
    %shift_left3A_4 = arith.shli %shift_right_arithmetic3A_3, %shift_left3A : i32
    %min3A = arith.constant 512 : i32
    %min3A_5 = arith.minsi %shift_left3A_4, %min3A : i32
    %multiple_of3A = tpu.assume_multiple %min3A_5, 128 : i32
    "tpu.region"() ({
      %run_scoped3A = tpu.sem_alloc : memref<!tpu.dma_semaphore, #tpu.memory_space<semaphore_mem>>
      %dma_start3A_339 = tpu.memref_slice %arg3[%mul3A_2] : memref<768xi32, #tpu.memory_space<hbm>> -> memref<24xi32, #tpu.memory_space<hbm>>
      %dma_start3A_340 = tpu.memref_slice %arg3[%mul3A_2] : memref<768xi32, #tpu.memory_space<hbm>> -> memref<24xi32, #tpu.memory_space<hbm>>
      tpu.enqueue_dma source(%dma_start3A_340 : memref<24xi32, #tpu.memory_space<hbm>>) target(%arg5 : memref<24xi32, #tpu.memory_space<vmem>>) target_semaphore(%run_scoped3A : memref<!tpu.dma_semaphore, #tpu.memory_space<semaphore_mem>>)
      %dma_wait3A_341 = tpu.memref_slice %arg3[%mul3A_2] : memref<768xi32, #tpu.memory_space<hbm>> -> memref<24xi32, #tpu.memory_space<hbm>>
      %dma_wait3A_342 = tpu.memref_slice %arg3[%mul3A_2] : memref<768xi32, #tpu.memory_space<hbm>> -> memref<24xi32, #tpu.memory_space<hbm>>
      tpu.wait_dma2 semaphore(%run_scoped3A : memref<!tpu.dma_semaphore, #tpu.memory_space<semaphore_mem>>) src(%dma_wait3A_342 : memref<24xi32, #tpu.memory_space<hbm>>) dst(%arg5 : memref<24xi32, #tpu.memory_space<vmem>>)
      tpu.yield
    }) : () -> ()
    %iota3A = tpu.iota {dimensions = array<i32: 0>} : vector<16xi32>
    %get3A = arith.constant 0 : index
    %get3A_6 = tpu.vector_load %arg5[%get3A] {strides = array<i32>} : memref<24xi32, #tpu.memory_space<vmem>>, vector<16xi32>,
    %add3A_7 = arith.constant 1 : i32
    %add3A_8 = vector.broadcast %add3A_7 : i32 to vector<16xi32>
    %add3A_9 = arith.addi %get3A_6, %add3A_8 : vector<16xi32>
    %swap3A = arith.constant 0 : index
    %swap3A_10 = tpu.vector_load %arg6[%swap3A] {strides = array<i32>} : memref<24xi32, #tpu.memory_space<vmem>>, vector<16xi32>,
    tpu.vector_store %arg6[%swap3A], %add3A_9 {strides = array<i32>} : memref<24xi32, #tpu.memory_space<vmem>>, vector<16xi32>,
    %get3A_11 = arith.constant 8 : index
    %get3A_12 = tpu.vector_load %arg5[%get3A_11] {strides = array<i32>} : memref<24xi32, #tpu.memory_space<vmem>>, vector<16xi32>,
    %add3A_13 = arith.constant 1 : i32
    %add3A_14 = vector.broadcast %add3A_13 : i32 to vector<16xi32>
    %add3A_15 = arith.addi %get3A_12, %add3A_14 : vector<16xi32>
    %swap3A_16 = arith.constant 8 : index
    %swap3A_17 = tpu.vector_load %arg6[%swap3A_16] {strides = array<i32>} : memref<24xi32, #tpu.memory_space<vmem>>, vector<16xi32>,
    tpu.vector_store %arg6[%swap3A_16], %add3A_15 {strides = array<i32>} : memref<24xi32, #tpu.memory_space<vmem>>, vector<16xi32>,
    %dma_start3A = arith.constant 0 : i32
    %dma_start3A_18 = arith.constant 0 : i32
    %dma_start3A_19 = tpu.memref_slice %arg2[%dma_start3A, %dma_start3A_18, %multiple_of3A] : memref<8193x4x768xf32, #tpu.memory_space<hbm>> -> memref<8193x4x256xf32, #tpu.memory_space<hbm>>
    tpu.enqueue_indirect_dma source(%dma_start3A_19 : memref<8193x4x256xf32, #tpu.memory_space<hbm>>) target(%arg7 : memref<24x4x256xf32, #tpu.memory_space<vmem>>) offsets(%arg6 : memref<24xi32, #tpu.memory_space<vmem>>) semaphore(%arg9 : memref<!tpu.dma_semaphore, #tpu.memory_space<semaphore_mem>>)
    %dma_wait3A = arith.constant 0 : i32
    %dma_wait3A_20 = arith.constant 0 : i32
    %dma_wait3A_21 = tpu.memref_slice %arg2[%dma_wait3A, %dma_wait3A_20, %multiple_of3A] : memref<8193x4x768xf32, #tpu.memory_space<hbm>> -> memref<8193x4x256xf32, #tpu.memory_space<hbm>>
    tpu.wait_indirect_dma semaphore(%arg9 : memref<!tpu.dma_semaphore, #tpu.memory_space<semaphore_mem>>) src(%dma_wait3A_21 : memref<8193x4x256xf32, #tpu.memory_space<hbm>>) dst(%arg7 : memref<24x4x256xf32, #tpu.memory_space<vmem>>)
    %add3A_22 = arith.constant 0 : i32
    %add3A_23 = vector.broadcast %add3A_22 : i32 to vector<16xi32>
    %add3A_24 = arith.addi %add3A_23, %iota3A : vector<16xi32>
    %jit3A = arith.constant 24 : i32
    %div3A = vector.broadcast %jit3A : i32 to vector<16xi32>
    %div3A_25 = arith.divsi %add3A_24, %div3A : vector<16xi32>
    %sign3A = arith.constant 0 : i32
    %sign3A_26 = vector.broadcast %sign3A : i32 to vector<16xi32>
    %sign3A_27 = arith.cmpi sgt, %add3A_24, %sign3A_26 : vector<16xi32>
    %sign3A_28 = arith.extui %sign3A_27 : vector<16xi1> to vector<16xi32>
    %sign3A_29 = arith.constant 0 : i32
    %sign3A_30 = vector.broadcast %sign3A_29 : i32 to vector<16xi32>
    %sign3A_31 = arith.cmpi slt, %add3A_24, %sign3A_30 : vector<16xi32>
    %sign3A_32 = arith.extui %sign3A_31 : vector<16xi1> to vector<16xi32>
    %sign3A_33 = arith.subi %sign3A_28, %sign3A_32 : vector<16xi32>
    %sign3A_34 = arith.constant 0 : i32
    %sign3A_35 = arith.cmpi sgt, %jit3A, %sign3A_34 : i32
    %sign3A_36 = arith.extui %sign3A_35 : i1 to i32
    %sign3A_37 = arith.constant 0 : i32
    %sign3A_38 = arith.cmpi slt, %jit3A, %sign3A_37 : i32
    %sign3A_39 = arith.extui %sign3A_38 : i1 to i32
    %sign3A_40 = arith.subi %sign3A_36, %sign3A_39 : i32
    %ne3A = vector.broadcast %sign3A_40 : i32 to vector<16xi32>
    %ne3A_41 = arith.cmpi ne, %sign3A_33, %ne3A : vector<16xi32>
    %rem3A = vector.broadcast %jit3A : i32 to vector<16xi32>
    %rem3A_42 = arith.remsi %add3A_24, %rem3A : vector<16xi32>
    %ne3A_43 = arith.constant 0 : i32
    %ne3A_44 = vector.broadcast %ne3A_43 : i32 to vector<16xi32>
    %ne3A_45 = arith.cmpi ne, %rem3A_42, %ne3A_44 : vector<16xi32>
    %and3A = arith.andi %ne3A_41, %ne3A_45 : vector<16xi1>
    %sub3A = arith.constant 1 : i32
    %sub3A_46 = vector.broadcast %sub3A : i32 to vector<16xi32>
    %sub3A_47 = arith.subi %div3A_25, %sub3A_46 : vector<16xi32>
    %select_n3A = arith.select %and3A, %sub3A_47, %div3A_25 : vector<16xi1>, vector<16xi32>
    %mul3A_48 = arith.constant 24 : i32
    %mul3A_49 = vector.broadcast %mul3A_48 : i32 to vector<16xi32>
    %mul3A_50 = arith.muli %select_n3A, %mul3A_49 : vector<16xi32>
    %sub3A_51 = arith.subi %add3A_24, %mul3A_50 : vector<16xi32>
    %add3A_52 = vector.broadcast %mul3A_2 : i32 to vector<16xi32>
    %add3A_53 = arith.addi %add3A_52, %sub3A_51 : vector<16xi32>
    %sub3A_54 = vector.broadcast %multiple_of3A : i32 to vector<16xi32>
    %sub3A_55 = arith.subi %add3A_53, %sub3A_54 : vector<16xi32>
    %gather3A = tpu.vector_load_idx %arg7[%sub3A_51, %select_n3A, %sub3A_55] : memref<24x4x256xf32, #tpu.memory_space<vmem>>[vector<16xi32>, vector<16xi32>, vector<16xi32>], vector<16xf32>,
    %swap3A_56 = arith.constant 0 : index
    %swap3A_57 = tpu.vector_load %arg8[%swap3A_56] {strides = array<i32>} : memref<96xf32, #tpu.memory_space<vmem>>, vector<16xf32>,
    tpu.vector_store %arg8[%swap3A_56], %gather3A {strides = array<i32>} : memref<96xf32, #tpu.memory_space<vmem>>, vector<16xf32>,
    %add3A_58 = arith.constant 16 : i32
    %add3A_59 = vector.broadcast %add3A_58 : i32 to vector<16xi32>
    %add3A_60 = arith.addi %add3A_59, %iota3A : vector<16xi32>
    %jit3A_61 = arith.constant 24 : i32
    %div3A_62 = vector.broadcast %jit3A_61 : i32 to vector<16xi32>
    %div3A_63 = arith.divsi %add3A_60, %div3A_62 : vector<16xi32>
    %sign3A_64 = arith.constant 0 : i32
    %sign3A_65 = vector.broadcast %sign3A_64 : i32 to vector<16xi32>
    %sign3A_66 = arith.cmpi sgt, %add3A_60, %sign3A_65 : vector<16xi32>
    %sign3A_67 = arith.extui %sign3A_66 : vector<16xi1> to vector<16xi32>
    %sign3A_68 = arith.constant 0 : i32
    %sign3A_69 = vector.broadcast %sign3A_68 : i32 to vector<16xi32>
    %sign3A_70 = arith.cmpi slt, %add3A_60, %sign3A_69 : vector<16xi32>
    %sign3A_71 = arith.extui %sign3A_70 : vector<16xi1> to vector<16xi32>
    %sign3A_72 = arith.subi %sign3A_67, %sign3A_71 : vector<16xi32>
    %sign3A_73 = arith.constant 0 : i32
    %sign3A_74 = arith.cmpi sgt, %jit3A_61, %sign3A_73 : i32
    %sign3A_75 = arith.extui %sign3A_74 : i1 to i32
    %sign3A_76 = arith.constant 0 : i32
    %sign3A_77 = arith.cmpi slt, %jit3A_61, %sign3A_76 : i32
    %sign3A_78 = arith.extui %sign3A_77 : i1 to i32
    %sign3A_79 = arith.subi %sign3A_75, %sign3A_78 : i32
    %ne3A_80 = vector.broadcast %sign3A_79 : i32 to vector<16xi32>
    %ne3A_81 = arith.cmpi ne, %sign3A_72, %ne3A_80 : vector<16xi32>
    %rem3A_82 = vector.broadcast %jit3A_61 : i32 to vector<16xi32>
    %rem3A_83 = arith.remsi %add3A_60, %rem3A_82 : vector<16xi32>
    %ne3A_84 = arith.constant 0 : i32
    %ne3A_85 = vector.broadcast %ne3A_84 : i32 to vector<16xi32>
    %ne3A_86 = arith.cmpi ne, %rem3A_83, %ne3A_85 : vector<16xi32>
    %and3A_87 = arith.andi %ne3A_81, %ne3A_86 : vector<16xi1>
    %sub3A_88 = arith.constant 1 : i32
    %sub3A_89 = vector.broadcast %sub3A_88 : i32 to vector<16xi32>
    %sub3A_90 = arith.subi %div3A_63, %sub3A_89 : vector<16xi32>
    %select_n3A_91 = arith.select %and3A_87, %sub3A_90, %div3A_63 : vector<16xi1>, vector<16xi32>
    %mul3A_92 = arith.constant 24 : i32
    %mul3A_93 = vector.broadcast %mul3A_92 : i32 to vector<16xi32>
    %mul3A_94 = arith.muli %select_n3A_91, %mul3A_93 : vector<16xi32>
    %sub3A_95 = arith.subi %add3A_60, %mul3A_94 : vector<16xi32>
    %add3A_96 = vector.broadcast %mul3A_2 : i32 to vector<16xi32>
    %add3A_97 = arith.addi %add3A_96, %sub3A_95 : vector<16xi32>
    %sub3A_98 = vector.broadcast %multiple_of3A : i32 to vector<16xi32>
    %sub3A_99 = arith.subi %add3A_97, %sub3A_98 : vector<16xi32>
    %gather3A_100 = tpu.vector_load_idx %arg7[%sub3A_95, %select_n3A_91, %sub3A_99] : memref<24x4x256xf32, #tpu.memory_space<vmem>>[vector<16xi32>, vector<16xi32>, vector<16xi32>], vector<16xf32>,
    %swap3A_101 = arith.constant 16 : index
    %swap3A_102 = tpu.vector_load %arg8[%swap3A_101] {strides = array<i32>} : memref<96xf32, #tpu.memory_space<vmem>>, vector<16xf32>,
    tpu.vector_store %arg8[%swap3A_101], %gather3A_100 {strides = array<i32>} : memref<96xf32, #tpu.memory_space<vmem>>, vector<16xf32>,
    %add3A_103 = arith.constant 32 : i32
    %add3A_104 = vector.broadcast %add3A_103 : i32 to vector<16xi32>
    %add3A_105 = arith.addi %add3A_104, %iota3A : vector<16xi32>
    %jit3A_106 = arith.constant 24 : i32
    %div3A_107 = vector.broadcast %jit3A_106 : i32 to vector<16xi32>
    %div3A_108 = arith.divsi %add3A_105, %div3A_107 : vector<16xi32>
    %sign3A_109 = arith.constant 0 : i32
    %sign3A_110 = vector.broadcast %sign3A_109 : i32 to vector<16xi32>
    %sign3A_111 = arith.cmpi sgt, %add3A_105, %sign3A_110 : vector<16xi32>
    %sign3A_112 = arith.extui %sign3A_111 : vector<16xi1> to vector<16xi32>
    %sign3A_113 = arith.constant 0 : i32
    %sign3A_114 = vector.broadcast %sign3A_113 : i32 to vector<16xi32>
    %sign3A_115 = arith.cmpi slt, %add3A_105, %sign3A_114 : vector<16xi32>
    %sign3A_116 = arith.extui %sign3A_115 : vector<16xi1> to vector<16xi32>
    %sign3A_117 = arith.subi %sign3A_112, %sign3A_116 : vector<16xi32>
    %sign3A_118 = arith.constant 0 : i32
    %sign3A_119 = arith.cmpi sgt, %jit3A_106, %sign3A_118 : i32
    %sign3A_120 = arith.extui %sign3A_119 : i1 to i32
    %sign3A_121 = arith.constant 0 : i32
    %sign3A_122 = arith.cmpi slt, %jit3A_106, %sign3A_121 : i32
    %sign3A_123 = arith.extui %sign3A_122 : i1 to i32
    %sign3A_124 = arith.subi %sign3A_120, %sign3A_123 : i32
    %ne3A_125 = vector.broadcast %sign3A_124 : i32 to vector<16xi32>
    %ne3A_126 = arith.cmpi ne, %sign3A_117, %ne3A_125 : vector<16xi32>
    %rem3A_127 = vector.broadcast %jit3A_106 : i32 to vector<16xi32>
    %rem3A_128 = arith.remsi %add3A_105, %rem3A_127 : vector<16xi32>
    %ne3A_129 = arith.constant 0 : i32
    %ne3A_130 = vector.broadcast %ne3A_129 : i32 to vector<16xi32>
    %ne3A_131 = arith.cmpi ne, %rem3A_128, %ne3A_130 : vector<16xi32>
    %and3A_132 = arith.andi %ne3A_126, %ne3A_131 : vector<16xi1>
    %sub3A_133 = arith.constant 1 : i32
    %sub3A_134 = vector.broadcast %sub3A_133 : i32 to vector<16xi32>
    %sub3A_135 = arith.subi %div3A_108, %sub3A_134 : vector<16xi32>
    %select_n3A_136 = arith.select %and3A_132, %sub3A_135, %div3A_108 : vector<16xi1>, vector<16xi32>
    %mul3A_137 = arith.constant 24 : i32
    %mul3A_138 = vector.broadcast %mul3A_137 : i32 to vector<16xi32>
    %mul3A_139 = arith.muli %select_n3A_136, %mul3A_138 : vector<16xi32>
    %sub3A_140 = arith.subi %add3A_105, %mul3A_139 : vector<16xi32>
    %add3A_141 = vector.broadcast %mul3A_2 : i32 to vector<16xi32>
    %add3A_142 = arith.addi %add3A_141, %sub3A_140 : vector<16xi32>
    %sub3A_143 = vector.broadcast %multiple_of3A : i32 to vector<16xi32>
    %sub3A_144 = arith.subi %add3A_142, %sub3A_143 : vector<16xi32>
    %gather3A_145 = tpu.vector_load_idx %arg7[%sub3A_140, %select_n3A_136, %sub3A_144] : memref<24x4x256xf32, #tpu.memory_space<vmem>>[vector<16xi32>, vector<16xi32>, vector<16xi32>], vector<16xf32>,
    %swap3A_146 = arith.constant 32 : index
    %swap3A_147 = tpu.vector_load %arg8[%swap3A_146] {strides = array<i32>} : memref<96xf32, #tpu.memory_space<vmem>>, vector<16xf32>,
    tpu.vector_store %arg8[%swap3A_146], %gather3A_145 {strides = array<i32>} : memref<96xf32, #tpu.memory_space<vmem>>, vector<16xf32>,
    %add3A_148 = arith.constant 48 : i32
    %add3A_149 = vector.broadcast %add3A_148 : i32 to vector<16xi32>
    %add3A_150 = arith.addi %add3A_149, %iota3A : vector<16xi32>
    %jit3A_151 = arith.constant 24 : i32
    %div3A_152 = vector.broadcast %jit3A_151 : i32 to vector<16xi32>
    %div3A_153 = arith.divsi %add3A_150, %div3A_152 : vector<16xi32>
    %sign3A_154 = arith.constant 0 : i32
    %sign3A_155 = vector.broadcast %sign3A_154 : i32 to vector<16xi32>
    %sign3A_156 = arith.cmpi sgt, %add3A_150, %sign3A_155 : vector<16xi32>
    %sign3A_157 = arith.extui %sign3A_156 : vector<16xi1> to vector<16xi32>
    %sign3A_158 = arith.constant 0 : i32
    %sign3A_159 = vector.broadcast %sign3A_158 : i32 to vector<16xi32>
    %sign3A_160 = arith.cmpi slt, %add3A_150, %sign3A_159 : vector<16xi32>
    %sign3A_161 = arith.extui %sign3A_160 : vector<16xi1> to vector<16xi32>
    %sign3A_162 = arith.subi %sign3A_157, %sign3A_161 : vector<16xi32>
    %sign3A_163 = arith.constant 0 : i32
    %sign3A_164 = arith.cmpi sgt, %jit3A_151, %sign3A_163 : i32
    %sign3A_165 = arith.extui %sign3A_164 : i1 to i32
    %sign3A_166 = arith.constant 0 : i32
    %sign3A_167 = arith.cmpi slt, %jit3A_151, %sign3A_166 : i32
    %sign3A_168 = arith.extui %sign3A_167 : i1 to i32
    %sign3A_169 = arith.subi %sign3A_165, %sign3A_168 : i32
    %ne3A_170 = vector.broadcast %sign3A_169 : i32 to vector<16xi32>
    %ne3A_171 = arith.cmpi ne, %sign3A_162, %ne3A_170 : vector<16xi32>
    %rem3A_172 = vector.broadcast %jit3A_151 : i32 to vector<16xi32>
    %rem3A_173 = arith.remsi %add3A_150, %rem3A_172 : vector<16xi32>
    %ne3A_174 = arith.constant 0 : i32
    %ne3A_175 = vector.broadcast %ne3A_174 : i32 to vector<16xi32>
    %ne3A_176 = arith.cmpi ne, %rem3A_173, %ne3A_175 : vector<16xi32>
    %and3A_177 = arith.andi %ne3A_171, %ne3A_176 : vector<16xi1>
    %sub3A_178 = arith.constant 1 : i32
    %sub3A_179 = vector.broadcast %sub3A_178 : i32 to vector<16xi32>
    %sub3A_180 = arith.subi %div3A_153, %sub3A_179 : vector<16xi32>
    %select_n3A_181 = arith.select %and3A_177, %sub3A_180, %div3A_153 : vector<16xi1>, vector<16xi32>
    %mul3A_182 = arith.constant 24 : i32
    %mul3A_183 = vector.broadcast %mul3A_182 : i32 to vector<16xi32>
    %mul3A_184 = arith.muli %select_n3A_181, %mul3A_183 : vector<16xi32>
    %sub3A_185 = arith.subi %add3A_150, %mul3A_184 : vector<16xi32>
    %add3A_186 = vector.broadcast %mul3A_2 : i32 to vector<16xi32>
    %add3A_187 = arith.addi %add3A_186, %sub3A_185 : vector<16xi32>
    %sub3A_188 = vector.broadcast %multiple_of3A : i32 to vector<16xi32>
    %sub3A_189 = arith.subi %add3A_187, %sub3A_188 : vector<16xi32>
    %gather3A_190 = tpu.vector_load_idx %arg7[%sub3A_185, %select_n3A_181, %sub3A_189] : memref<24x4x256xf32, #tpu.memory_space<vmem>>[vector<16xi32>, vector<16xi32>, vector<16xi32>], vector<16xf32>,
    %swap3A_191 = arith.constant 48 : index
    %swap3A_192 = tpu.vector_load %arg8[%swap3A_191] {strides = array<i32>} : memref<96xf32, #tpu.memory_space<vmem>>, vector<16xf32>,
    tpu.vector_store %arg8[%swap3A_191], %gather3A_190 {strides = array<i32>} : memref<96xf32, #tpu.memory_space<vmem>>, vector<16xf32>,
    %add3A_193 = arith.constant 64 : i32
    %add3A_194 = vector.broadcast %add3A_193 : i32 to vector<16xi32>
    %add3A_195 = arith.addi %add3A_194, %iota3A : vector<16xi32>
    %jit3A_196 = arith.constant 24 : i32
    %div3A_197 = vector.broadcast %jit3A_196 : i32 to vector<16xi32>
    %div3A_198 = arith.divsi %add3A_195, %div3A_197 : vector<16xi32>
    %sign3A_199 = arith.constant 0 : i32
    %sign3A_200 = vector.broadcast %sign3A_199 : i32 to vector<16xi32>
    %sign3A_201 = arith.cmpi sgt, %add3A_195, %sign3A_200 : vector<16xi32>
    %sign3A_202 = arith.extui %sign3A_201 : vector<16xi1> to vector<16xi32>
    %sign3A_203 = arith.constant 0 : i32
    %sign3A_204 = vector.broadcast %sign3A_203 : i32 to vector<16xi32>
    %sign3A_205 = arith.cmpi slt, %add3A_195, %sign3A_204 : vector<16xi32>
    %sign3A_206 = arith.extui %sign3A_205 : vector<16xi1> to vector<16xi32>
    %sign3A_207 = arith.subi %sign3A_202, %sign3A_206 : vector<16xi32>
    %sign3A_208 = arith.constant 0 : i32
    %sign3A_209 = arith.cmpi sgt, %jit3A_196, %sign3A_208 : i32
    %sign3A_210 = arith.extui %sign3A_209 : i1 to i32
    %sign3A_211 = arith.constant 0 : i32
    %sign3A_212 = arith.cmpi slt, %jit3A_196, %sign3A_211 : i32
    %sign3A_213 = arith.extui %sign3A_212 : i1 to i32
    %sign3A_214 = arith.subi %sign3A_210, %sign3A_213 : i32
    %ne3A_215 = vector.broadcast %sign3A_214 : i32 to vector<16xi32>
    %ne3A_216 = arith.cmpi ne, %sign3A_207, %ne3A_215 : vector<16xi32>
    %rem3A_217 = vector.broadcast %jit3A_196 : i32 to vector<16xi32>
    %rem3A_218 = arith.remsi %add3A_195, %rem3A_217 : vector<16xi32>
    %ne3A_219 = arith.constant 0 : i32
    %ne3A_220 = vector.broadcast %ne3A_219 : i32 to vector<16xi32>
    %ne3A_221 = arith.cmpi ne, %rem3A_218, %ne3A_220 : vector<16xi32>
    %and3A_222 = arith.andi %ne3A_216, %ne3A_221 : vector<16xi1>
    %sub3A_223 = arith.constant 1 : i32
    %sub3A_224 = vector.broadcast %sub3A_223 : i32 to vector<16xi32>
    %sub3A_225 = arith.subi %div3A_198, %sub3A_224 : vector<16xi32>
    %select_n3A_226 = arith.select %and3A_222, %sub3A_225, %div3A_198 : vector<16xi1>, vector<16xi32>
    %mul3A_227 = arith.constant 24 : i32
    %mul3A_228 = vector.broadcast %mul3A_227 : i32 to vector<16xi32>
    %mul3A_229 = arith.muli %select_n3A_226, %mul3A_228 : vector<16xi32>
    %sub3A_230 = arith.subi %add3A_195, %mul3A_229 : vector<16xi32>
    %add3A_231 = vector.broadcast %mul3A_2 : i32 to vector<16xi32>
    %add3A_232 = arith.addi %add3A_231, %sub3A_230 : vector<16xi32>
    %sub3A_233 = vector.broadcast %multiple_of3A : i32 to vector<16xi32>
    %sub3A_234 = arith.subi %add3A_232, %sub3A_233 : vector<16xi32>
    %gather3A_235 = tpu.vector_load_idx %arg7[%sub3A_230, %select_n3A_226, %sub3A_234] : memref<24x4x256xf32, #tpu.memory_space<vmem>>[vector<16xi32>, vector<16xi32>, vector<16xi32>], vector<16xf32>,
    %swap3A_236 = arith.constant 64 : index
    %swap3A_237 = tpu.vector_load %arg8[%swap3A_236] {strides = array<i32>} : memref<96xf32, #tpu.memory_space<vmem>>, vector<16xf32>,
    tpu.vector_store %arg8[%swap3A_236], %gather3A_235 {strides = array<i32>} : memref<96xf32, #tpu.memory_space<vmem>>, vector<16xf32>,
    %add3A_238 = arith.constant 80 : i32
    %add3A_239 = vector.broadcast %add3A_238 : i32 to vector<16xi32>
    %add3A_240 = arith.addi %add3A_239, %iota3A : vector<16xi32>
    %jit3A_241 = arith.constant 24 : i32
    %div3A_242 = vector.broadcast %jit3A_241 : i32 to vector<16xi32>
    %div3A_243 = arith.divsi %add3A_240, %div3A_242 : vector<16xi32>
    %sign3A_244 = arith.constant 0 : i32
    %sign3A_245 = vector.broadcast %sign3A_244 : i32 to vector<16xi32>
    %sign3A_246 = arith.cmpi sgt, %add3A_240, %sign3A_245 : vector<16xi32>
    %sign3A_247 = arith.extui %sign3A_246 : vector<16xi1> to vector<16xi32>
    %sign3A_248 = arith.constant 0 : i32
    %sign3A_249 = vector.broadcast %sign3A_248 : i32 to vector<16xi32>
    %sign3A_250 = arith.cmpi slt, %add3A_240, %sign3A_249 : vector<16xi32>
    %sign3A_251 = arith.extui %sign3A_250 : vector<16xi1> to vector<16xi32>
    %sign3A_252 = arith.subi %sign3A_247, %sign3A_251 : vector<16xi32>
    %sign3A_253 = arith.constant 0 : i32
    %sign3A_254 = arith.cmpi sgt, %jit3A_241, %sign3A_253 : i32
    %sign3A_255 = arith.extui %sign3A_254 : i1 to i32
    %sign3A_256 = arith.constant 0 : i32
    %sign3A_257 = arith.cmpi slt, %jit3A_241, %sign3A_256 : i32
    %sign3A_258 = arith.extui %sign3A_257 : i1 to i32
    %sign3A_259 = arith.subi %sign3A_255, %sign3A_258 : i32
    %ne3A_260 = vector.broadcast %sign3A_259 : i32 to vector<16xi32>
    %ne3A_261 = arith.cmpi ne, %sign3A_252, %ne3A_260 : vector<16xi32>
    %rem3A_262 = vector.broadcast %jit3A_241 : i32 to vector<16xi32>
    %rem3A_263 = arith.remsi %add3A_240, %rem3A_262 : vector<16xi32>
    %ne3A_264 = arith.constant 0 : i32
    %ne3A_265 = vector.broadcast %ne3A_264 : i32 to vector<16xi32>
    %ne3A_266 = arith.cmpi ne, %rem3A_263, %ne3A_265 : vector<16xi32>
    %and3A_267 = arith.andi %ne3A_261, %ne3A_266 : vector<16xi1>
    %sub3A_268 = arith.constant 1 : i32
    %sub3A_269 = vector.broadcast %sub3A_268 : i32 to vector<16xi32>
    %sub3A_270 = arith.subi %div3A_243, %sub3A_269 : vector<16xi32>
    %select_n3A_271 = arith.select %and3A_267, %sub3A_270, %div3A_243 : vector<16xi1>, vector<16xi32>
    %mul3A_272 = arith.constant 24 : i32
    %mul3A_273 = vector.broadcast %mul3A_272 : i32 to vector<16xi32>
    %mul3A_274 = arith.muli %select_n3A_271, %mul3A_273 : vector<16xi32>
    %sub3A_275 = arith.subi %add3A_240, %mul3A_274 : vector<16xi32>
    %add3A_276 = vector.broadcast %mul3A_2 : i32 to vector<16xi32>
    %add3A_277 = arith.addi %add3A_276, %sub3A_275 : vector<16xi32>
    %sub3A_278 = vector.broadcast %multiple_of3A : i32 to vector<16xi32>
    %sub3A_279 = arith.subi %add3A_277, %sub3A_278 : vector<16xi32>
    %gather3A_280 = tpu.vector_load_idx %arg7[%sub3A_275, %select_n3A_271, %sub3A_279] : memref<24x4x256xf32, #tpu.memory_space<vmem>>[vector<16xi32>, vector<16xi32>, vector<16xi32>], vector<16xf32>,
    %swap3A_281 = arith.constant 80 : index
    %swap3A_282 = tpu.vector_load %arg8[%swap3A_281] {strides = array<i32>} : memref<96xf32, #tpu.memory_space<vmem>>, vector<16xf32>,
    tpu.vector_store %arg8[%swap3A_281], %gather3A_280 {strides = array<i32>} : memref<96xf32, #tpu.memory_space<vmem>>, vector<16xf32>,
    %add3A_283 = arith.constant 0 : i32
    %add3A_284 = arith.addi %add3A_283, %mul3A_2 : i32
    %dma_start3A_285 = arith.constant 0 : i32
    %dma_start3A_286 = tpu.memref_slice %arg8[%dma_start3A_285] : memref<96xf32, #tpu.memory_space<vmem>> -> memref<24xf32, #tpu.memory_space<vmem>>
    %dma_start3A_287 = tpu.memref_slice %arg4[%add3A_284] : memref<3072xf32, #tpu.memory_space<hbm>> -> memref<24xf32, #tpu.memory_space<hbm>>
    %dma_start3A_288 = tpu.memref_slice %arg4[%add3A_284] : memref<3072xf32, #tpu.memory_space<hbm>> -> memref<24xf32, #tpu.memory_space<hbm>>
    %dma_start3A_289 = arith.constant 0 : i32
    %dma_start3A_290 = tpu.memref_slice %arg8[%dma_start3A_289] : memref<96xf32, #tpu.memory_space<vmem>> -> memref<24xf32, #tpu.memory_space<vmem>>
    tpu.enqueue_dma source(%dma_start3A_290 : memref<24xf32, #tpu.memory_space<vmem>>) target(%dma_start3A_288 : memref<24xf32, #tpu.memory_space<hbm>>) target_semaphore(%arg9 : memref<!tpu.dma_semaphore, #tpu.memory_space<semaphore_mem>>)
    %add3A_291 = arith.constant 768 : i32
    %add3A_292 = arith.addi %add3A_291, %mul3A_2 : i32
    %dma_start3A_293 = arith.constant 24 : i32
    %dma_start3A_294 = tpu.memref_slice %arg8[%dma_start3A_293] : memref<96xf32, #tpu.memory_space<vmem>> -> memref<24xf32, #tpu.memory_space<vmem>>
    %dma_start3A_295 = tpu.memref_slice %arg4[%add3A_292] : memref<3072xf32, #tpu.memory_space<hbm>> -> memref<24xf32, #tpu.memory_space<hbm>>
    %dma_start3A_296 = tpu.memref_slice %arg4[%add3A_292] : memref<3072xf32, #tpu.memory_space<hbm>> -> memref<24xf32, #tpu.memory_space<hbm>>
    %dma_start3A_297 = arith.constant 24 : i32
    %dma_start3A_298 = tpu.memref_slice %arg8[%dma_start3A_297] : memref<96xf32, #tpu.memory_space<vmem>> -> memref<24xf32, #tpu.memory_space<vmem>>
    tpu.enqueue_dma source(%dma_start3A_298 : memref<24xf32, #tpu.memory_space<vmem>>) target(%dma_start3A_296 : memref<24xf32, #tpu.memory_space<hbm>>) target_semaphore(%arg9 : memref<!tpu.dma_semaphore, #tpu.memory_space<semaphore_mem>>)
    %add3A_299 = arith.constant 1536 : i32
    %add3A_300 = arith.addi %add3A_299, %mul3A_2 : i32
    %dma_start3A_301 = arith.constant 48 : i32
    %dma_start3A_302 = tpu.memref_slice %arg8[%dma_start3A_301] : memref<96xf32, #tpu.memory_space<vmem>> -> memref<24xf32, #tpu.memory_space<vmem>>
    %dma_start3A_303 = tpu.memref_slice %arg4[%add3A_300] : memref<3072xf32, #tpu.memory_space<hbm>> -> memref<24xf32, #tpu.memory_space<hbm>>
    %dma_start3A_304 = tpu.memref_slice %arg4[%add3A_300] : memref<3072xf32, #tpu.memory_space<hbm>> -> memref<24xf32, #tpu.memory_space<hbm>>
    %dma_start3A_305 = arith.constant 48 : i32
    %dma_start3A_306 = tpu.memref_slice %arg8[%dma_start3A_305] : memref<96xf32, #tpu.memory_space<vmem>> -> memref<24xf32, #tpu.memory_space<vmem>>
    tpu.enqueue_dma source(%dma_start3A_306 : memref<24xf32, #tpu.memory_space<vmem>>) target(%dma_start3A_304 : memref<24xf32, #tpu.memory_space<hbm>>) target_semaphore(%arg9 : memref<!tpu.dma_semaphore, #tpu.memory_space<semaphore_mem>>)
    %add3A_307 = arith.constant 2304 : i32
    %add3A_308 = arith.addi %add3A_307, %mul3A_2 : i32
    %dma_start3A_309 = arith.constant 72 : i32
    %dma_start3A_310 = tpu.memref_slice %arg8[%dma_start3A_309] : memref<96xf32, #tpu.memory_space<vmem>> -> memref<24xf32, #tpu.memory_space<vmem>>
    %dma_start3A_311 = tpu.memref_slice %arg4[%add3A_308] : memref<3072xf32, #tpu.memory_space<hbm>> -> memref<24xf32, #tpu.memory_space<hbm>>
    %dma_start3A_312 = tpu.memref_slice %arg4[%add3A_308] : memref<3072xf32, #tpu.memory_space<hbm>> -> memref<24xf32, #tpu.memory_space<hbm>>
    %dma_start3A_313 = arith.constant 72 : i32
    %dma_start3A_314 = tpu.memref_slice %arg8[%dma_start3A_313] : memref<96xf32, #tpu.memory_space<vmem>> -> memref<24xf32, #tpu.memory_space<vmem>>
    tpu.enqueue_dma source(%dma_start3A_314 : memref<24xf32, #tpu.memory_space<vmem>>) target(%dma_start3A_312 : memref<24xf32, #tpu.memory_space<hbm>>) target_semaphore(%arg9 : memref<!tpu.dma_semaphore, #tpu.memory_space<semaphore_mem>>)
    %dma_wait3A_315 = arith.constant 0 : i32
    %dma_wait3A_316 = tpu.memref_slice %arg8[%dma_wait3A_315] : memref<96xf32, #tpu.memory_space<vmem>> -> memref<24xf32, #tpu.memory_space<vmem>>
    %dma_wait3A_317 = tpu.memref_slice %arg4[%add3A_284] : memref<3072xf32, #tpu.memory_space<hbm>> -> memref<24xf32, #tpu.memory_space<hbm>>
    %dma_wait3A_318 = tpu.memref_slice %arg4[%add3A_284] : memref<3072xf32, #tpu.memory_space<hbm>> -> memref<24xf32, #tpu.memory_space<hbm>>
    %dma_wait3A_319 = arith.constant 0 : i32
    %dma_wait3A_320 = tpu.memref_slice %arg8[%dma_wait3A_319] : memref<96xf32, #tpu.memory_space<vmem>> -> memref<24xf32, #tpu.memory_space<vmem>>
    tpu.wait_dma2 semaphore(%arg9 : memref<!tpu.dma_semaphore, #tpu.memory_space<semaphore_mem>>) src(%dma_wait3A_320 : memref<24xf32, #tpu.memory_space<vmem>>) dst(%dma_wait3A_318 : memref<24xf32, #tpu.memory_space<hbm>>)
    %dma_wait3A_321 = arith.constant 24 : i32
    %dma_wait3A_322 = tpu.memref_slice %arg8[%dma_wait3A_321] : memref<96xf32, #tpu.memory_space<vmem>> -> memref<24xf32, #tpu.memory_space<vmem>>
    %dma_wait3A_323 = tpu.memref_slice %arg4[%add3A_292] : memref<3072xf32, #tpu.memory_space<hbm>> -> memref<24xf32, #tpu.memory_space<hbm>>
    %dma_wait3A_324 = tpu.memref_slice %arg4[%add3A_292] : memref<3072xf32, #tpu.memory_space<hbm>> -> memref<24xf32, #tpu.memory_space<hbm>>
    %dma_wait3A_325 = arith.constant 24 : i32
    %dma_wait3A_326 = tpu.memref_slice %arg8[%dma_wait3A_325] : memref<96xf32, #tpu.memory_space<vmem>> -> memref<24xf32, #tpu.memory_space<vmem>>
    tpu.wait_dma2 semaphore(%arg9 : memref<!tpu.dma_semaphore, #tpu.memory_space<semaphore_mem>>) src(%dma_wait3A_326 : memref<24xf32, #tpu.memory_space<vmem>>) dst(%dma_wait3A_324 : memref<24xf32, #tpu.memory_space<hbm>>)
    %dma_wait3A_327 = arith.constant 48 : i32
    %dma_wait3A_328 = tpu.memref_slice %arg8[%dma_wait3A_327] : memref<96xf32, #tpu.memory_space<vmem>> -> memref<24xf32, #tpu.memory_space<vmem>>
    %dma_wait3A_329 = tpu.memref_slice %arg4[%add3A_300] : memref<3072xf32, #tpu.memory_space<hbm>> -> memref<24xf32, #tpu.memory_space<hbm>>
    %dma_wait3A_330 = tpu.memref_slice %arg4[%add3A_300] : memref<3072xf32, #tpu.memory_space<hbm>> -> memref<24xf32, #tpu.memory_space<hbm>>
    %dma_wait3A_331 = arith.constant 48 : i32
    %dma_wait3A_332 = tpu.memref_slice %arg8[%dma_wait3A_331] : memref<96xf32, #tpu.memory_space<vmem>> -> memref<24xf32, #tpu.memory_space<vmem>>
    tpu.wait_dma2 semaphore(%arg9 : memref<!tpu.dma_semaphore, #tpu.memory_space<semaphore_mem>>) src(%dma_wait3A_332 : memref<24xf32, #tpu.memory_space<vmem>>) dst(%dma_wait3A_330 : memref<24xf32, #tpu.memory_space<hbm>>)
    %dma_wait3A_333 = arith.constant 72 : i32
    %dma_wait3A_334 = tpu.memref_slice %arg8[%dma_wait3A_333] : memref<96xf32, #tpu.memory_space<vmem>> -> memref<24xf32, #tpu.memory_space<vmem>>
    %dma_wait3A_335 = tpu.memref_slice %arg4[%add3A_308] : memref<3072xf32, #tpu.memory_space<hbm>> -> memref<24xf32, #tpu.memory_space<hbm>>
    %dma_wait3A_336 = tpu.memref_slice %arg4[%add3A_308] : memref<3072xf32, #tpu.memory_space<hbm>> -> memref<24xf32, #tpu.memory_space<hbm>>
    %dma_wait3A_337 = arith.constant 72 : i32
    %dma_wait3A_338 = tpu.memref_slice %arg8[%dma_wait3A_337] : memref<96xf32, #tpu.memory_space<vmem>> -> memref<24xf32, #tpu.memory_space<vmem>>
    tpu.wait_dma2 semaphore(%arg9 : memref<!tpu.dma_semaphore, #tpu.memory_space<semaphore_mem>>) src(%dma_wait3A_338 : memref<24xf32, #tpu.memory_space<vmem>>) dst(%dma_wait3A_336 : memref<24xf32, #tpu.memory_space<hbm>>)
    return
  }
}

module attributes {stable_mosaic.version = 14 : i64} {
  func.func @_tc_q_body(%arg0: i32, %arg1: memref<4x768xf32, #tpu.memory_space<vmem>>, %arg2: memref<768x768xf32, #tpu.memory_space<vmem>>, %arg3: memref<768x768xf32, #tpu.memory_space<vmem>>, %arg4: memref<4x768xf32, #tpu.memory_space<vmem>>) attributes {dimension_semantics = [#tpu.dimension_semantics<arbitrary>], iteration_bounds = array<i64: 1>, scalar_prefetch = 0 : i64, scratch_operands = 0 : i64, tpu.core_type = #tpu.core_type<tc>, window_params = [{pipeline_mode = #tpu.pipeline_mode<synchronous>, transform_indices = @transform_0, window_bounds = array<i64: 4, 768>}, {pipeline_mode = #tpu.pipeline_mode<synchronous>, transform_indices = @transform_1, window_bounds = array<i64: 768, 768>}, {transform_indices = @transform_2, window_bounds = array<i64: 768, 768>}, {pipeline_mode = #tpu.pipeline_mode<synchronous>, transform_indices = @transform_3, window_bounds = array<i64: 4, 768>}]} {
    %get3A = arith.constant 0 : index
    %get3A_0 = arith.constant 0 : index
    %get3A_1 = vector.load %arg1[%get3A, %get3A_0] : memref<4x768xf32, #tpu.memory_space<vmem>>, vector<4x768xf32>
    %get3A_2 = arith.constant 0 : index
    %get3A_3 = arith.constant 0 : index
    %get3A_4 = vector.load %arg2[%get3A_2, %get3A_3] : memref<768x768xf32, #tpu.memory_space<vmem>>, vector<768x768xf32>
    %dot_general3A = arith.constant dense<0.000000e+00> : vector<4x768xf32>
    %dot_general3A_5 = tpu.matmul %get3A_1, %get3A_4, %dot_general3A {dimension_numbers = #tpu.dot_dimension_numbers<[1], [1], [0], [0], [0, 0, 1, 0], [], []>, transpose_lhs_hint = false} : vector<4x768xf32>, vector<768x768xf32>, vector<4x768xf32> -> vector<4x768xf32>
    %get3A_6 = arith.constant 0 : index
    %get3A_7 = arith.constant 0 : index
    %get3A_8 = vector.load %arg3[%get3A_6, %get3A_7] : memref<768x768xf32, #tpu.memory_space<vmem>>, vector<768x768xf32>
    %dot_general3A_9 = arith.constant dense<0.000000e+00> : vector<4x768xf32>
    %dot_general3A_10 = tpu.matmul %dot_general3A_5, %get3A_8, %dot_general3A_9 {dimension_numbers = #tpu.dot_dimension_numbers<[1], [1], [0], [0], [0, 0, 1, 0], [], []>, transpose_lhs_hint = false} : vector<4x768xf32>, vector<768x768xf32>, vector<4x768xf32> -> vector<4x768xf32>
    %swap3A = arith.constant 0 : index
    %swap3A_11 = arith.constant 0 : index
    %swap3A_12 = vector.load %arg4[%swap3A, %swap3A_11] : memref<4x768xf32, #tpu.memory_space<vmem>>, vector<4x768xf32>
    tpu.vector_store %arg4[%swap3A, %swap3A_11], %dot_general3A_10 {strides = array<i32>} : memref<4x768xf32, #tpu.memory_space<vmem>>, vector<4x768xf32>,
    return
  }
  func.func @transform_0(%arg0: i32) -> (i32, i32) {
    %c0_i32 = arith.constant 0 : i32
    %c0_i32_0 = arith.constant 0 : i32
    %c0_i32_1 = arith.constant 0 : i32
    return %c0_i32, %c0_i32_0 : i32, i32
  }
  func.func @transform_1(%arg0: i32) -> (i32, i32) {
    %c0_i32 = arith.constant 0 : i32
    %c0_i32_0 = arith.constant 0 : i32
    %c0_i32_1 = arith.constant 0 : i32
    return %c0_i32, %c0_i32_0 : i32, i32
  }
  func.func @transform_2(%arg0: i32) -> (i32, i32) {
    %c0_i32 = arith.constant 0 : i32
    %c1_i32 = arith.constant 1 : i32
    %c0_i32_0 = arith.constant 0 : i32
    return %c0_i32, %c1_i32 : i32, i32
  }
  func.func @transform_3(%arg0: i32) -> (i32, i32) {
    %c0_i32 = arith.constant 0 : i32
    %c0_i32_0 = arith.constant 0 : i32
    %c0_i32_1 = arith.constant 0 : i32
    return %c0_i32, %c0_i32_0 : i32, i32
  }
}

module attributes {stable_mosaic.version = 14 : i64} {
  func.func @_tc_out_body(%arg0: i32, %arg1: memref<3072xf32, #tpu.memory_space<vmem>>, %arg2: memref<4x768xf32, #tpu.memory_space<vmem>>, %arg3: memref<768x768xf32, #tpu.memory_space<vmem>>, %arg4: memref<4x768xf32, #tpu.memory_space<vmem>>) attributes {dimension_semantics = [#tpu.dimension_semantics<arbitrary>], iteration_bounds = array<i64: 1>, scalar_prefetch = 0 : i64, scratch_operands = 0 : i64, tpu.core_type = #tpu.core_type<tc>, window_params = [{pipeline_mode = #tpu.pipeline_mode<synchronous>, transform_indices = @transform_0, window_bounds = array<i64: 3072>}, {pipeline_mode = #tpu.pipeline_mode<synchronous>, transform_indices = @transform_1, window_bounds = array<i64: 4, 768>}, {transform_indices = @transform_2, window_bounds = array<i64: 768, 768>}, {pipeline_mode = #tpu.pipeline_mode<synchronous>, transform_indices = @transform_3, window_bounds = array<i64: 4, 768>}]} {
    %get3A = arith.constant 0 : index
    %get3A_0 = vector.load %arg1[%get3A] : memref<3072xf32, #tpu.memory_space<vmem>>, vector<768xf32>
    %reshape3A = vector.shape_cast %get3A_0 : vector<768xf32> to vector<1x768xf32>
    %get3A_1 = arith.constant 768 : index
    %get3A_2 = vector.load %arg1[%get3A_1] : memref<3072xf32, #tpu.memory_space<vmem>>, vector<768xf32>
    %reshape3A_3 = vector.shape_cast %get3A_2 : vector<768xf32> to vector<1x768xf32>
    %get3A_4 = arith.constant 1536 : index
    %get3A_5 = vector.load %arg1[%get3A_4] : memref<3072xf32, #tpu.memory_space<vmem>>, vector<768xf32>
    %reshape3A_6 = vector.shape_cast %get3A_5 : vector<768xf32> to vector<1x768xf32>
    %get3A_7 = arith.constant 2304 : index
    %get3A_8 = vector.load %arg1[%get3A_7] : memref<3072xf32, #tpu.memory_space<vmem>>, vector<768xf32>
    %reshape3A_9 = vector.shape_cast %get3A_8 : vector<768xf32> to vector<1x768xf32>
    %concatenate3A = tpu.concatenate %reshape3A, %reshape3A_3, %reshape3A_6, %reshape3A_9 in 0 : vector<1x768xf32>, vector<1x768xf32>, vector<1x768xf32>, vector<1x768xf32> -> vector<4x768xf32>
    %get3A_10 = arith.constant 0 : index
    %get3A_11 = arith.constant 0 : index
    %get3A_12 = vector.load %arg2[%get3A_10, %get3A_11] : memref<4x768xf32, #tpu.memory_space<vmem>>, vector<4x768xf32>
    %get3A_13 = arith.constant 0 : index
    %get3A_14 = arith.constant 0 : index
    %get3A_15 = vector.load %arg3[%get3A_13, %get3A_14] : memref<768x768xf32, #tpu.memory_space<vmem>>, vector<768x768xf32>
    %dot_general3A = arith.constant dense<0.000000e+00> : vector<4x768xf32>
    %dot_general3A_16 = tpu.matmul %concatenate3A, %get3A_15, %dot_general3A {dimension_numbers = #tpu.dot_dimension_numbers<[1], [1], [0], [0], [0, 0, 1, 0], [], []>, transpose_lhs_hint = false} : vector<4x768xf32>, vector<768x768xf32>, vector<4x768xf32> -> vector<4x768xf32>
    %add3A = arith.addf %get3A_12, %dot_general3A_16 : vector<4x768xf32>
    %tanh3A = math.tanh %add3A : vector<4x768xf32>
    %swap3A = arith.constant 0 : index
    %swap3A_17 = arith.constant 0 : index
    %swap3A_18 = vector.load %arg4[%swap3A, %swap3A_17] : memref<4x768xf32, #tpu.memory_space<vmem>>, vector<4x768xf32>
    tpu.vector_store %arg4[%swap3A, %swap3A_17], %tanh3A {strides = array<i32>} : memref<4x768xf32, #tpu.memory_space<vmem>>, vector<4x768xf32>,
    return
  }
  func.func @transform_0(%arg0: i32) -> i32 {
    %c0_i32 = arith.constant 0 : i32
    %c0_i32_0 = arith.constant 0 : i32
    return %c0_i32 : i32
  }
  func.func @transform_1(%arg0: i32) -> (i32, i32) {
    %c0_i32 = arith.constant 0 : i32
    %c0_i32_0 = arith.constant 0 : i32
    %c0_i32_1 = arith.constant 0 : i32
    return %c0_i32, %c0_i32_0 : i32, i32
  }
  func.func @transform_2(%arg0: i32) -> (i32, i32) {
    %c0_i32 = arith.constant 0 : i32
    %c0_i32_0 = arith.constant 0 : i32
    %c0_i32_1 = arith.constant 0 : i32
    return %c0_i32, %c0_i32_0 : i32, i32
  }
  func.func @transform_3(%arg0: i32) -> (i32, i32) {
    %c0_i32 = arith.constant 0 : i32
    %c0_i32_0 = arith.constant 0 : i32
    %c0_i32_1 = arith.constant 0 : i32
    return %c0_i32, %c0_i32_0 : i32, i32
  }
}

</mosaic_0001>

<sc_bundles>
// kernel: kernel.5.cloned.1.call-start
scs
__scs_entry_jumppad:
0x0: {  	(pc) =	sbr.rel $0x88, $3  }
0x1: {  	(tag) =	ssettag $0x0;
	lr =	simm.s32 $0x1  }
0x2: {  	[smem:$0x3F9C] =	sst lr;
	_ =	strace $0xD0000000  }
0x3: {  	_ = 	snop  }
0x4: {  	_ = 	snop  }
0x5: {  	_ = 	snop  }
0x6: {  	_ = 	snop  }
0x7: {  	_ = 	snop  }
__scs_overlays_trampoline_lowered:
0x8: {  	[smem:$0x3FAB] =	sst s0  }
0x9: {  	[smem:$0x3FAC] =	sst s1  }
0xa: {  	[smem:$0x3FAD] =	sst s2  }
0xb: {  	[smem:$0x3FAE] =	sst s3  }
0xc: {  	[smem:$0x3FAF] =	sst s4  }
0xd: {  	[smem:$0x3FB0] =	sst s5  }
0xe: {  	[smem:$0x3FB1] =	sst s6  }
0xf: {  	[smem:$0x3FB2] =	sst s7  }
0x10: {  	[smem:$0x3FB3] =	sst s8  }
0x11: {  	[smem:$0x3FB4] =	sst s9;
	s0 =	simm.s32 @!p0 $0x0  }
0x12: {  	s1 =	sld [smem:$0x3F9A];
	s0 =	simm.s32 @p0 $0x1  }
0x13: {  	[smem:$0x3FB5] =	sst s0;
	s0 =	simm.s32 @!p1 $0x0  }
0x14: {  	s2 =	sld [smem:$0x3F99];
	s0 =	simm.s32 @p1 $0x1  }
0x15: {  	[smem:$0x3FB6] =	sst s0;
	s0 =	simm.s32 @!p2 $0x0  }
0x16: {  	s3 =	sld [smem:$0x3FDB];
	s0 =	simm.s32 @p2 $0x1  }
0x17: {  	s4 =	simm.s32 $0x1BF5;
	[smem:$0x3FB8] =	sst s0  }
0x18: {  	s0 =	sld [smem:$0x3F9B];
	_ =	swait.ge [sflag:s4], $0x0  }
0x19: {  	s7 =	sld [smem:$0x3F9C]  }
0x1a: {  	s8 =	sadd.s32 $0xFFFFE003, lr  }
0x1b: {  	s9 =	sadd.s32 $0xFFFFFEF7, lr;
	s5 =	simm.s32 $0xFFFFFFFF;
	p2 =	slt.u32 s8, $0xFFFFF086  }
0x1c: {  	p1 =	slt.u32 s9, $0xF7A;
	s5 =	simm.s32 @!p2 $0x0  }
0x1d: {  	s5 =	simm.s32 @p1 $0x1;
	p0 =	seq.s32 s7, s2  }
0x1e: {  	s7 =	smul.u32 @!p0 $0xF7A, s2;
	p2 =	seq.s32 @!p0 s5, $0x0  }
0x1f: {  	s9 =	smul.u32 $0xF7A, s1;
	s8 =	simm.s32 @!p0 $0x1BF5;
	p2 =	por !p2, p0  }
0x20: {  	[sflag:s8] =	ssyncset.s32 @!p0 $0xFFFFF086;
	s6 =	sadd.s32 @!p0 s3, s7;
	s7 =	simm.s32 @!p0 $0x108  }
0x21: {  	s3 =	sadd.s32 s3, s9;
	s6 =	sadd.s32 @!p0 $0x88, s6;
	s7 =	simm.s32 @p2 $0x1082  }
0x22: {  	[simem:s7], [sflag:s8] =	dma.local @!p0 [hbm:s6], $0xF7A  }
0x23: {  	s9 =	sor.u32 $0xD0000000, s2;
	s6 =	simm.s32 $0x108;
	_ =	swait.ge @!p0 [sflag:s8], $0x0  }
0x24: {  	s3 =	sadd.s32 $0x88, s3;
	s6 =	simm.s32 @!p1 $0x1082;
	[sflag:s4] =	ssyncset.s32 $0xFFFFF086  }
0x25: {  	[simem:s6], [sflag:s4] =	dma.local [hbm:s3], $0xF7A  }
0x26: {  	[smem:$0x3F9C] =	sst s1;
	(tag) =	ssettag s2;
	_ =	strace s9  }
0x27: {  	s1 =	sld [smem:$0x3FAC]  }
0x28: {  	s2 =	sld [smem:$0x3FAD]  }
0x29: {  	s4 =	sld [smem:$0x3FAF]  }
0x2a: {  	p0 =	seq.s32 s5, $0x0;
	s5 =	sld [smem:$0x3FB0]  }
0x2b: {  	s6 =	sld [smem:$0x3FB1]  }
0x2c: {  	s7 =	sld [smem:$0x3FB2]  }
0x2d: {  	s3 =	simm.s32 $0x108;
	s8 =	sld [smem:$0x3FB3]  }
0x2e: {  	s3 =	simm.s32 @!p0 $0x1082;
	s9 =	sld [smem:$0x3FB4]  }
0x2f: {  	lr =	sadd.s32 s0, s3;
	s0 =	sld [smem:$0x3FAB]  }
0x30: {  	s3 =	sld [smem:$0x3FAE]  }
0x31: {  	[smem:$0x3FB7] =	sst s10  }
0x32: {  	s10 =	sld [smem:$0x3FB5];
	_ =	sdelay $0x3  }
0x33: {  	p0 =	seq.s32 s10, $0x1;
	s10 =	sld [smem:$0x3FB7];
	_ =	sdelay $0x3  }
0x34: {  	[smem:$0x3FB7] =	sst s10  }
0x35: {  	s10 =	sld [smem:$0x3FB6];
	_ =	sdelay $0x3  }
0x36: {  	p1 =	seq.s32 s10, $0x1;
	s10 =	sld [smem:$0x3FB7];
	_ =	sdelay $0x3  }
0x37: {  	[smem:$0x3FB7] =	sst s10  }
0x38: {  	s10 =	sld [smem:$0x3FB8]  }
0x39: {  	_ = 	snop;
	(pc) =	sbr.ind lr, $3  }
0x3a: {  	_ = 	snop  }
0x3b: {  	_ = 	snop  }
0x3c: {  	p2 =	seq.s32 s10, $0x1;
	s10 =	sld [smem:$0x3FB7]  }
0x3d: {  	_ =	shalt  }
0x3e: {  	_ =	shalt  }
0x3f: {  	_ =	shalt  }
0x40: {  	_ =	shalt  }
0x41: {  	_ =	shalt  }
0x42: {  	_ =	shalt  }
0x43: {  	_ =	shalt  }
0x44: {  	_ =	shalt  }
0x45: {  	_ =	shalt  }
0x46: {  	_ =	shalt  }
0x47: {  	_ =	shalt  }
0x48: {  	_ =	shalt  }
0x49: {  	_ =	shalt  }
0x4a: {  	_ =	shalt  }
0x4b: {  	_ =	shalt  }
0x4c: {  	_ =	shalt  }
0x4d: {  	_ =	shalt  }
0x4e: {  	_ =	shalt  }
0x4f: {  	_ =	shalt  }
0x50: {  	_ =	shalt  }
0x51: {  	_ =	shalt  }
0x52: {  	_ =	shalt  }
0x53: {  	_ =	shalt  }
0x54: {  	_ =	shalt  }
0x55: {  	_ =	shalt  }
0x56: {  	_ =	shalt  }
0x57: {  	_ =	shalt  }
0x58: {  	_ =	shalt  }
0x59: {  	_ =	shalt  }
0x5a: {  	_ =	shalt  }
0x5b: {  	_ =	shalt  }
0x5c: {  	_ =	shalt  }
0x5d: {  	_ =	shalt  }
0x5e: {  	_ =	shalt  }
0x5f: {  	_ =	shalt  }
0x60: {  	_ =	shalt  }
0x61: {  	_ =	shalt  }
0x62: {  	_ =	shalt  }
0x63: {  	_ =	shalt  }
0x64: {  	_ =	shalt  }
0x65: {  	_ =	shalt  }
0x66: {  	_ =	shalt  }
0x67: {  	_ =	shalt  }
0x68: {  	_ =	shalt  }
0x69: {  	_ =	shalt  }
0x6a: {  	_ =	shalt  }
0x6b: {  	_ =	shalt  }
0x6c: {  	_ =	shalt  }
0x6d: {  	_ =	shalt  }
0x6e: {  	_ =	shalt  }
0x6f: {  	_ =	shalt  }
0x70: {  	_ =	shalt  }
0x71: {  	_ =	shalt  }
0x72: {  	_ =	shalt  }
0x73: {  	_ =	shalt  }
0x74: {  	_ =	shalt  }
0x75: {  	_ =	shalt  }
0x76: {  	_ =	shalt  }
0x77: {  	_ =	shalt  }
0x78: {  	_ =	shalt  }
0x79: {  	_ =	shalt  }
0x7a: {  	_ =	shalt  }
0x7b: {  	_ =	shalt  }
0x7c: {  	_ =	shalt  }
0x7d: {  	_ =	shalt  }
0x7e: {  	_ =	shalt  }
0x7f: {  	_ =	shalt  }
0x80: {  	_ =	shalt  }
0x81: {  	_ =	shalt  }
0x82: {  	_ =	shalt  }
0x83: {  	_ =	shalt  }
0x84: {  	_ =	shalt  }
0x85: {  	_ =	shalt  }
0x86: {  	_ =	shalt  }
0x87: {  	_ =	shalt  }
.Lfunc_end0:
.L_simem_size_0:
called_computation_lowered:
.L_overlay_start_0:
0x88: {  	s2 =	sld [smem:$0x3FD9]  }
0x89: {  	s3 =	sld [smem:$0x3FFE];
	_ =	sdelay $0x1  }
0x8a: {  	s1 =	srdreg.scid  }
0x8b: {  	s0 =	sand.u32 $0x1, s1  }
0x8c: {  	s18 =	sshll.u32 s0, $0xA;
	s2 =	sadd.s32 s3, s2  }
0x8d: {  	s2 =	sadd.s32 s2, s18  }
0x8e: {  	[smem:$0x3FC3] =	sst s2  }
0x8f: {  	_ = 	snop  }
0x90: {  	s2 =	sld [smem:$0x3FC9]  }
0x91: {  	s19 =	sld [smem:$0x3FC7]  }
0x92: {  	s4 =	sld [smem:$0x3FD0];
	(tm) =	ssettm $0x1  }
0x93: {  	s5 =	sld [smem:$0x3FFB];
	_ =	sdelay $0x3  }
0x94: {  	_ =	strace s5  }
0x95: {  	s5 =	sld [smem:$0x3FFC];
	_ =	sdelay $0x3  }
0x96: {  	_ =	strace s5  }
0x97: {  	s5 =	sld [smem:$0x3FFD];
	_ =	sdelay $0x3  }
0x98: {  	_ =	strace s5  }
0x99: {  	_ =	strace $0x8FFFFFFF  }
0x9a: {  	s20 =	sld [smem:$0x3FDB];
	_ =	sdelay $0x1  }
0x9b: {  	s6 =	simm.s32 $_scs_section_size  }
0x9c: {  	s7 =	simm.s32 $_size__tile_overlayer_lowered;
	s8 =	simm.s32 $_tile_overlayer_lowered  }
0x9d: {  	s23 =	simm.s32 $0x1BFF;
	s22 =	sshll.u32 s8, $0x1;
	s5 =	sadd.s32 s6, s20  }
0x9e: {  	s9 =	simm.s32 $0x0;
	s21 =	sshll.u32 s7, $0x1;
	s7 =	sadd.s32 s22, s5  }
0x9f: {  	[timem:s9], [sflag:s23] =	dma.local [hbm:s7], s21  }
0xa0: {  	_ =	swait.ge [sflag:s23], s21  }
0xa1: {  	s6 =	ssub.s32 $0x0, s21;
	[sflag:s23] =	ssyncset.done $0x0  }
0xa2: {  	[sflag:s23] =	ssyncadd.s32 s6;
	_ =	sdelay $0x1  }
0xa3: {  	s24 =	simm.s32 $0x1B8B  }
0xa4: {  	_ =	swait.ge [sflag:s24], $0x1  }
0xa5: {  	[sflag:s24] =	ssyncset.done $0x0  }
0xa6: {  	s25 =	simm.s32 $0x1B8E;
	[sflag:s24] =	ssyncadd.s32 $0xFFFFFFFF  }
0xa7: {  	s26 =	simm.s32 $execute0_lowered;
	[smem:$0x3FD2] =	sst s25  }
0xa8: {  	s6 =	sshll.u32 s26, $0x1;
	_ =	strace $0x80000046;
	[dreg:$0x1] =	wrdreg $0xFFFFFFFF  }
0xa9: {  	s28 =	simm.s32 $_size_execute0_lowered;
	s5 =	sadd.s32 s5, s6;
	[dreg:$0x0] =	wrdreg $0x0  }
0xaa: {  	s6 =	sshll.u32 s28, $0x1;
	[dreg:$0x2] =	wrdreg s5  }
0xab: {  	[dreg:$0x3] =	wrdreg s6  }
0xac: {  	[dreg:$0x4] =	wrdreg $0xC0  }
0xad: {  	_ =	task [dreg:s9], $0x5FFFF  }
0xae: {  	[dreg:$0x1] =	wrdreg $0xFFFFFFFF  }
0xaf: {  	[dreg:$0x0] =	wrdreg $0x60  }
0xb0: {  	[dreg:$0x2] =	wrdreg s2  }
0xb1: {  	[dreg:$0x3] =	wrdreg s19  }
0xb2: {  	[dreg:$0x4] =	wrdreg s4  }
0xb3: {  	[dreg:$0x5] =	wrdreg $0x9  }
0xb4: {  	_ =	task.clear_ibuf [dreg:s9], $0x6FFFF;
	_ =	strace $0x90000046  }
0xb5: {  	s29 =	simm.s32 $0x9;
	_ =	strace $0x80000048  }
0xb6: {  	_ =	swait.ge [sflag:s29], $0x1  }
0xb7: {  	[sflag:s29] =	ssyncadd.s32 $0xFFFFFFFF  }
0xb8: {  	_ =	strace $0x90000048  }
0xb9: {  	_ =	sfence  }
0xba: {  	s30 =	sld [smem:$0x0];
	_ =	sdelay $0x2  }
0xbb: {  	s31 =	sshll.u32 s1, $0xD;
	s1 =	sshrl.u32 s1, $0x2  }
0xbc: {  	s3 =	sand.u32 $0x4000, s31;
	s1 =	sadd.s32 s1, s30  }
0xbd: {  	s0 =	sor.u32 s3, s0;
	s1 =	sshll.u32 s1, $0x11  }
0xbe: {  	s0 =	sor.u32 s1, s0  }
0xbf: {  	s0 =	sadd.s32 $0x8F2B, s0  }
0xc0: {  	[sflag:s0] =	ssyncadd.remote.s32 $0x1  }
0xc1: {  	_ =	sfence.sel $0xFFFF  }
0xc2: {  	[dreg:$0x0] =	wrdreg $0xFFFFFFFF;
	(pc) =	sbr.abs _section_cstart, $3  }
0xc3: {  	[dreg:$0x1] =	wrdreg $0xFFFFFFFF  }
0xc4: {  	_ =	task.clear_ibuf [dreg:s9], $0x2FFFF;
	_ =	strace $0x9FFFFFFF  }
0xc5: {  	(tm) =	ssettm $0x7FFFFFFF  }
tec
execute0_lowered:
.L_overlay_start_1:
0x0: {  	(tag) =	ssettag $0x1  }
0x1: {  	s1 =	srdreg.scid;
	s0 =	stileid.u32  }
0x2: {  	s5 =	sand.u32 $0x1, s1;
	s30 =	sshll.u32 s0, $0x1  }
0x3: {  	s1 =	sor.u32 s5, s30  }
0x4: {  	s3 =	smul.u32 $0x18, s1  }
0x5: {  	v0 =	vlaneseq.u32;
	v4 =	vimm.s32 $0x76543210;
	v5 =	vimm.s32 $0x13121110  }
0x6: {  	v6 =	vimm.s32 $0x17161514;
	vm0 =	vcmask $0x1F10;
	vm1 =	vcmask $0x704;
	s1 =	sand.u32 $0x380, s3  }
0x7: {  	vm2 =	vcmask $0xB08;
	vm3 =	vcmask $0xF0C;
	vm4 =	vcmask $0x1310;
	s4 =	smin.u32 s1, $0x200  }
0x8: {  	vm5 =	vcmask $0x1714;
	v1 =	vadd.s32 s3, v0;
	v2 =	vmov s4  }
0x9: {  	vm6 =	vcmask $0x1B18;
	v8 =	vimm.s32 $0x1D80;
	v3 =	vsub.s32 v1, v2  }
0xa: {  	vm7 =	vcmask $0x1F1C;
	v5 =	vunpack.c.0.s8.s32 v5;
	v3 =	vshll.u32 v3, $0x2  }
0xb: {  	v6 =	vunpack.c.0.s8.s32 v6;
	v1 =	vand.u32 $0x7F, v1;
	v3 =	vand.u32 $0xFFFFFE00, v3  }
0xc: {  	vm8 =	vcmask $0x2320;
	v4 =	vunpack.c.l.s4.s8 v4;
	v3 =	vor.u32 v1, v3  }
0xd: {  	v1 =	vsel vm0, v6, v5;
	v5 =	vimm.s32 $0x1C80;
	vm0 =	vcmask $0x300  }
0xe: {  	v7 =	vmul.u32 $0x400, v0;
	v4 =	vunpack.c.0.s8.s32 v4;
	v5 =	vsel vm0, $0x4000, v5  }
0xf: {  	vm9 =	vcmask $0x2724;
	vm10 =	vcmask $0x2B28;
	v5 =	vsel vm1, $0x4400, v5  }
0x10: {  	v4 =	vcombine.low v1, v4;
	v1 =	vadd.s32 v7, v3;
	v5 =	vsel vm2, $0x4800, v5  }
0x11: {  	v8 =	vsel vm0, $0x4100, v8;
	vm0 =	vcmask $0x3330;
	v5 =	vsel vm3, $0x4C00, v5  }
0x12: {  	v8 =	vsel vm1, $0x4500, v8;
	vm1 =	vcmask $0x3734;
	v5 =	vsel vm4, $0x5000, v5  }
0x13: {  	v4 =	vadd.s32 s3, v4;
	v8 =	vsel vm2, $0x4900, v8;
	v5 =	vsel vm5, $0x5400, v5  }
0x14: {  	vm2 =	vcmask $0x2F2C;
	v6 =	vsub.s32 v4, v2;
	v5 =	vsel vm6, $0x5800, v5  }
0x15: {  	v4 =	vand.u32 $0x7F, v4;
	v8 =	vsel vm3, $0x4D00, v8;
	v5 =	vsel vm7, $0x5C00, v5  }
0x16: {  	vm3 =	vcmask $0x3B38;
	v8 =	vsel vm4, $0x5100, v8;
	v5 =	vsel vm8, $0x80, v5  }
0x17: {  	v6 =	vshll.u32 v6, $0x2;
	v8 =	vsel vm5, $0x5500, v8;
	v5 =	vsel vm9, $0x480, v5  }
0x18: {  	s6 =	rddreg [dreg:$0x0];
	v6 =	vand.u32 $0xFFFFFE00, v6;
	v8 =	vsel vm6, $0x5900, v8;
	v5 =	vsel vm10, $0x880, v5  }
0x19: {  	s7 =	rddreg [dreg:$0x1];
	v6 =	vor.u32 v4, v6;
	v8 =	vsel vm7, $0x5D00, v8;
	v5 =	vsel vm2, $0xC80, v5  }
0x1a: {  	s8 =	rddreg [dreg:$0x2];
	v4 =	vadd.s32 $0x8, v0;
	v8 =	vsel vm8, $0x180, v8;
	v5 =	vsel vm0, $0x1080, v5  }
0x1b: {  	s2 =	simm.s32 $0x0;
	s10 =	simm.s32 $0x2;
	s11 =	simm.s32 $0x100;
	v4 =	vadd.s32 s3, v4;
	v8 =	vsel vm9, $0x580, v8;
	v5 =	vsel vm1, $0x1480, v5  }
0x1c: {  	s12 =	simm.s32 $0x4100;
	s13 =	simm.s32 $0x1;
	s5 =	ssub.s32 $0x2, s5;
	v9 =	vsub.s32 v4, v2;
	v8 =	vsel vm10, $0x980, v8;
	v5 =	vsel vm3, $0x1880, v5  }
0x1d: {  	s14 =	simm.s32 $0x6100;
	s15 =	simm.s32 $0x6118;
	s9 =	sshrl.u32 s5, $0x1;
	v8 =	vsel vm2, $0xD80, v8;
	v2 =	vadd.s32 v5, v6;
	v5 =	vshll.u32 v9, $0x2  }
0x1e: {  	s16 =	simm.s32 $0x6130;
	s17 =	simm.s32 $0x6148;
	s9 =	ssub.s32 s5, s9;
	v4 =	vand.u32 $0x7F, v4;
	v8 =	vsel vm0, $0x1180, v8;
	v5 =	vand.u32 $0xFFFFFE00, v5  }
0x1f: {  	[smem:$0x7FF] =	sst s2;
	s31 =	sshrl.u32 s3, $0x3;
	s9 =	smax.u32 s9, $0x1;
	v63 =	vor.u32 v4, v5;
	v4 =	vor.u32 $0x100, v7;
	v5 =	vsel vm1, $0x1580, v8  }
0x20: {  	s1 =	rddreg [dreg:$0x3];
	s5 =	sadd.s32 s8, s31;
	s4 =	sshrl.u32 s4, $0x1;
	vm0 =	vmmov $0xffff;
	v3 =	vadd.s32 v4, v3;
	v5 =	vsel vm3, $0x1980, v5  }
0x21: {  	_ =	strace $0x80000047;
	s8 =	sadd.s32 $0x120, s5;
	s4 =	sadd.s32 s6, s4;
	v4 =	vadd.s32 $0x2080, v7;
	v5 =	vadd.s32 v5, v6;
	v6 =	vadd.s32 $0x2180, v7  }
0x22: {  	s6 =	sadd.s32 $0x60, s5;
	s3 =	sadd.s32 s7, s31;
	s7 =	sadd.s32 $0xC0, s5;
	vm1 =	vmmov $0xff;
	v4 =	vadd.s32 v4, v63;
	v6 =	vadd.s32 v6, v63  }
.LBB2_1:
0x23: {  	[tilespmem:s2], [sflag:$0x2] =	stream.linear.gather [hbm4b:s3+s2], $0x18, $0x38;
	[tilespmem:$0x6180] =	vst v63  }
0x24: {  	_ =	swait.ge [sflag:s10], $0x18  }
0x25: {  	[sflag:s10] =	ssyncset.done $0x0  }
0x26: {  	[sflag:s10] =	ssyncadd.s32 $0xFFFFFFE8  }
0x27: {  	v7 =	vld [tilespmem:$0x0]  }
0x28: {  	v8 =	vld [tilespmem:$0x8];
	_ =	sdelay $0x3  }
0x29: {  	v7 =	vadd.s32 $0x1, v7  }
0x2a: {  	[tilespmem:$0x80] =	vst v7;
	v7 =	vadd.s32 $0x1, v8  }
0x2b: {  	[tilespmem:$0x88] =	vst v7  }
0x2c: {  	v7 =	vld [tilespmem:$0x80];
	_ =	sdelay $0x4  }
0x2d: {  	v7 =	vmul.u32 $0xC00, v7;
	_ =	sdelay $0x1  }
0x2e: {  	v7 =	vperm.xlane v7, v0;
	_ =	sdelay $0x5  }
0x2f: {  	[tilespmem:s11], [sflag:$0x1] =	stream.indirect_vreg.gather [hbm4b:s4+s2], $0x400, v7, vm0, $0x38;
	[tilespmem:$0x6180] =	vst v63  }
0x30: {  	v7 =	vld.msk [tilespmem:$0x90], $0xff;
	_ =	sdelay $0x4  }
0x31: {  	v7 =	vmul.u32 $0xC00, v7;
	_ =	sdelay $0x1  }
0x32: {  	v7 =	vperm.xlane v7, v0;
	_ =	sdelay $0x5  }
0x33: {  	[tilespmem:s12], [sflag:$0x1] =	stream.indirect_vreg.gather [hbm4b:s4+s2], $0x400, v7, vm1, $0x38;
	[tilespmem:$0x6180] =	vst v63  }
0x34: {  	_ =	swait.ge [sflag:s13], $0x6000  }
0x35: {  	[sflag:s13] =	ssyncset.done $0x0  }
0x36: {  	[sflag:s13] =	ssyncadd.s32 $0xFFFFA000  }
0x37: {  	v7 =	vld.idx.msk [tilespmem:v1+s11+$0x0], $0xffff;
	_ =	sdelay $0x4  }
0x38: {  	[tilespmem:$0x6100] =	vst v7  }
0x39: {  	v7 =	vld.idx.msk [tilespmem:v2+s11+$0x0], $0xffff;
	_ =	sdelay $0x4  }
0x3a: {  	[tilespmem:$0x6110] =	vst v7  }
0x3b: {  	v7 =	vld.idx.msk [tilespmem:v4+s11+$0x0], $0xffff;
	_ =	sdelay $0x4  }
0x3c: {  	[tilespmem:$0x6120] =	vst v7  }
0x3d: {  	v7 =	vld.idx.msk [tilespmem:v3+s11+$0x0], $0xffff;
	_ =	sdelay $0x4  }
0x3e: {  	[tilespmem:$0x6130] =	vst v7  }
0x3f: {  	v7 =	vld.idx.msk [tilespmem:v5+s11+$0x0], $0xffff;
	_ =	sdelay $0x4  }
0x40: {  	[tilespmem:$0x6140] =	vst v7  }
0x41: {  	v7 =	vld.idx.msk [tilespmem:v6+s11+$0x0], $0xffff;
	_ =	sdelay $0x4  }
0x42: {  	[tilespmem:$0x6150] =	vst v7  }
0x43: {  	[hbm4b:s5+s2] =	stream.linear.scatter [tilespmem:s14], [sflag:$0x1], $0x18, $0x38;
	[tilespmem:$0x6180] =	vst v63  }
0x44: {  	_ = 	snop  }
0x45: {  	[hbm4b:s6+s2] =	stream.linear.scatter [tilespmem:s15], [sflag:$0x1], $0x18, $0x38;
	[tilespmem:$0x6180] =	vst v63  }
0x46: {  	_ = 	snop  }
0x47: {  	[hbm4b:s7+s2] =	stream.linear.scatter [tilespmem:s16], [sflag:$0x1], $0x18, $0x38;
	[tilespmem:$0x6180] =	vst v63  }
0x48: {  	_ = 	snop  }
0x49: {  	[hbm4b:s8+s2] =	stream.linear.scatter [tilespmem:s17], [sflag:$0x1], $0x18, $0x38;
	[tilespmem:$0x6180] =	vst v63  }
0x4a: {  	_ =	swait.ge [sflag:s13], $0x18  }
0x4b: {  	[sflag:s13] =	ssyncset.done $0x0  }
0x4c: {  	[sflag:s13] =	ssyncadd.s32 $0xFFFFFFE8  }
0x4d: {  	_ =	swait.ge [sflag:s13], $0x18  }
0x4e: {  	[sflag:s13] =	ssyncset.done $0x0  }
0x4f: {  	[sflag:s13] =	ssyncadd.s32 $0xFFFFFFE8  }
0x50: {  	p0 =	sne.s32 s9, $0x1;
	_ =	swait.ge [sflag:s13], $0x18  }
.Ltmp0:
0x51: {  	[sflag:s13] =	ssyncset.done $0x0;
	(pc) =	sbr.rel @p0 .LBB2_1-.Ltmp0, $4  }
0x52: {  	[sflag:s13] =	ssyncadd.s32 $0xFFFFFFE8  }
0x53: {  	_ =	swait.ge [sflag:s13], $0x18  }
0x54: {  	[sflag:s13] =	ssyncset.done $0x0  }
0x55: {  	s9 =	sadd.s32 $0xFFFFFFFF, s9;
	[sflag:s13] =	ssyncadd.s32 $0xFFFFFFE8  }
0x56: {  	_ =	sfence.sel $0x180000  }
0x57: {  	[bflag:$0x0] =	sbarrier.arrive $0xFFFF  }
0x58: {  	p0 =	sne.s32 s0, $0x0;
	_ =	strace $0x90000047  }
0x59: {  	s0 =	sadd.s32 @!p0 $0x100000, s1;
	[bflag:$0x2] =	sbarrier.arrive $0xFFFF  }
0x5a: {  	[sflag:s0] =	ssyncadd.tile.s32 @!p0 $0x1;
	_ =	shalt  }
.Lfunc_end2:
_tile_overlayer_lowered:
.L_overlay_start_2:
0x5b: {  	(tag) =	ssettag $0x2  }
0x5c: {  	s0 =	rddreg [dreg:$0x0];
	s2 =	stileid.u32  }
0x5d: {  	s1 =	rddreg [dreg:$0x1];
	p0 =	sne.s32 s2, $0x0  }
0x5e: {  	s3 =	rddreg [dreg:$0x2];
	[bflag:$0x3] =	sbarrier.arrive $0xFFFF;
	s2 =	simm.s32 @!p0 $0x1C02  }
0x5f: {  	[timem:s3], [sflag:s2] =	dma.local @!p0 [hbm:s0], s1  }
0x60: {  	s0 =	simm.s32 @!p0 $0x2  }
0x61: {  	_ =	swait.ge @!p0 [sflag:s0], s1  }
0x62: {  	s1 =	ssub.s32 @!p0 $0x0, s1;
	[sflag:s0] =	ssyncset.done @!p0 $0x0  }
0x63: {  	[sflag:s0] =	ssyncadd.s32 @!p0 s1  }
0x64: {  	[bflag:$0x3] =	sbarrier.arrive $0xFFFF  }
0x65: {  	_ =	shalt  }

</sc_bundles>
